<compile_context>
chip_gen: v7x
topology: tpu7x:2x2x1
jax: 0.10.2.dev20260603
libtpu: 0.0.44.dev20260713+nightly
codegen_flags: <defaults>
</compile_context>

<pallas_src>
import jax
import jax.numpy as jnp
from jax import lax
from jax.experimental import pallas as pl
from jax.experimental.pallas import tpu as pltpu
from jax.experimental.pallas import tpu_sc as plsc

N_NODES = 10000
N_EDGES = 320000
HID = 128

NC = 2
NS = 16
NW = NC * NS
E_PER = N_EDGES // NW
L = 16

BR = 5120
GRID = (N_NODES + BR - 1) // BR
N_PAD = GRID * BR

ALEN = (E_PER // 128 + 1) * 128

UNROLL = 8


def _sc_hist_body(edge_hbm, out_hbm, idx_v, hist_v, sem):
    c = lax.axis_index("c")
    s = lax.axis_index("s")
    wid = s * NC + c
    start = wid * E_PER
    base_al = start // 128 * 128
    off = start - base_al
    cp = pltpu.make_async_copy(
        edge_hbm.at[:, pl.ds(base_al, ALEN)], idx_v, sem)
    cp.start()

    zeros = jnp.zeros((L,), jnp.float32)

    def zbody(i, carry):
        for j in range(UNROLL):
            hist_v[pl.ds((i * UNROLL + j) * L, L)] = zeros
        return carry

    lax.fori_loop(0, N_PAD // L // UNROLL, zbody, 0)
    cp.wait()

    ones = jnp.ones((L,), jnp.float32)

    def body(i, carry):
        for j in range(UNROLL):
            idx = idx_v[0, pl.ds(off + (i * UNROLL + j) * L, L)]
            plsc.addupdate_scatter(hist_v, [idx], ones)
        return carry

    lax.fori_loop(0, E_PER // L // UNROLL, body, 0)
    for j in range(E_PER // L - (E_PER // L // UNROLL) * UNROLL):
        base = ((E_PER // L // UNROLL) * UNROLL + j) * L
        idx = idx_v[0, pl.ds(off + base, L)]
        plsc.addupdate_scatter(hist_v, [idx], ones)

    pltpu.sync_copy(hist_v, out_hbm.at[wid])


def _sc_hist(edge_index):
    mesh = plsc.VectorSubcoreMesh(core_axis_name="c", subcore_axis_name="s")
    return pl.kernel(
        _sc_hist_body,
        out_type=jax.ShapeDtypeStruct((NW, N_PAD), jnp.float32),
        mesh=mesh,
        compiler_params=pltpu.CompilerParams(needs_layout_passes=False),
        scratch_types=[
            pltpu.VMEM((2, ALEN), jnp.int32),
            pltpu.VMEM((N_PAD,), jnp.float32),
            pltpu.SemaphoreType.DMA,
        ],
    )(edge_index)


def _tc_main_body(pf_ref, x_ref, w_ref, b_ref, o_ref, m_sc):
    pid = pl.program_id(0)

    @pl.when(pid == 0)
    def _():
        deg = jnp.sum(pf_ref[...], axis=0, keepdims=True)
        m = jnp.max(deg)
        m_sc[0, 0] = 1.0 / (m + 1e-8)

    inv = m_sc[0, 0]
    p = pf_ref[:, pl.ds(pid * BR, BR)]
    dn = jnp.sum(p, axis=0, keepdims=True) * inv
    iota = lax.broadcasted_iota(jnp.int32, (1, BR), 1)
    idxn = (iota + pid * BR).astype(jnp.float32) * (1.0 / (N_NODES - 1))
    rw = jnp.sqrt(dn + 1e-8)
    f = jnp.concatenate([dn, idxn, rw], axis=0)
    pos = lax.dot_general(
        f, w_ref[...],
        (((0,), (1,)), ((), ())),
        preferred_element_type=jnp.float32,
        precision=lax.Precision.HIGHEST,
    )
    o_ref[...] = x_ref[...] + pos + b_ref[...]


def _tc_main(partials, x, W, b_row):
    return pl.pallas_call(
        _tc_main_body,
        grid=(GRID,),
        in_specs=[
            pl.BlockSpec((NW, N_PAD), lambda i: (0, 0)),
            pl.BlockSpec((BR, HID), lambda i: (i, 0)),
            pl.BlockSpec((HID, 3), lambda i: (0, 0)),
            pl.BlockSpec((1, HID), lambda i: (0, 0)),
        ],
        out_specs=pl.BlockSpec((BR, HID), lambda i: (i, 0)),
        out_shape=jax.ShapeDtypeStruct((N_NODES, HID), jnp.float32),
        scratch_shapes=[pltpu.SMEM((1, 1), jnp.float32)],
    )(partials, x, W, b_row)


@jax.jit
def kernel(x, edge_index, batch, W, b):
    del batch
    partials = _sc_hist(edge_index)
    return _tc_main(partials, x, W, b[None, :])

# --- scband reference (transcript-rebuilt; emitter-appended) ---
"""Pipeline reference for scband-positional-encoder-52733608460564 (READ-ONLY COPY).

The authoritative reference and input builder live on the scoring server;
editing this copy changes nothing except your own understanding.
"""

import jax, jax.numpy as jnp
import numpy as np

N_NODES = 10000
N_EDGES = 320000
HIDDEN_DIM = 128

def setup_inputs(seed: int = 0) -> dict:
    key = jax.random.key(seed)
    k1, k2, k3, k4, k5 = jax.random.split(key, 5)
    x = jax.random.normal(k1, (N_NODES, HIDDEN_DIM), dtype=jnp.float32)
    edge_index = jax.random.randint(k2, (2, N_EDGES), 0, N_NODES, dtype=jnp.int32)
    batch = jnp.sort(jax.random.randint(k3, (N_NODES,), 0, 16, dtype=jnp.int32))
    # nn.Linear(3, hidden_dim) parameters
    bound = 1.0 / np.sqrt(3.0)
    W = jax.random.uniform(k4, (HIDDEN_DIM, 3), dtype=jnp.float32, minval=-bound, maxval=bound)
    b = jax.random.uniform(k5, (HIDDEN_DIM,), dtype=jnp.float32, minval=-bound, maxval=bound)
    return {"x": x, "edge_index": edge_index, "batch": batch, "W": W, "b": b}

def reference(x, edge_index, batch, W, b):
    num_nodes = x.shape[0]
    row = edge_index[0]
    # degree via scatter-add (segment reduce)
    deg = jnp.zeros((num_nodes,), dtype=x.dtype).at[row].add(jnp.ones_like(row, dtype=x.dtype))
    deg = deg / (deg.max() + 1e-08)
    node_idx = jnp.arange(num_nodes, dtype=x.dtype) / max(num_nodes - 1, 1)
    rw_feature = jnp.sqrt(deg + 1e-08)
    pos_features = jnp.stack([deg, node_idx, rw_feature], axis=1)
    pos_encoding = pos_features @ W.T + b
    return x + pos_encoding

if __name__ == "__main__":
    import jax
    _d = setup_inputs()
    print(jax.jit(kernel)(*tuple(_d.values())))

</pallas_src>

<mosaic_0001>
#map = affine_map<(d0, d1) -> (0, 0)>
module attributes {stable_mosaic.version = 14 : i64} {
  func.func @_sc_hist_body(%arg0: i32, %arg1: i32, %arg2: memref<2x320000xi32, #tpu.memory_space<hbm>>, %arg3: memref<32x10240xf32, #tpu.memory_space<hbm>>, %arg4: memref<2x10112xi32, #tpu.memory_space<vmem>>, %arg5: memref<10240xf32, #tpu.memory_space<vmem>>, %arg6: memref<!tpu.dma_semaphore, #tpu.memory_space<semaphore_mem>>) attributes {dimension_semantics = [#tpu.dimension_semantics<core_parallel>, #tpu.dimension_semantics<subcore_parallel>], iteration_bounds = array<i64: 2, 16>, scalar_prefetch = 0 : i64, scratch_operands = 3 : i64, tpu.core_type = #tpu.core_type<sc_vector_subcore>, window_params = [{transform_indices = #map}, {transform_indices = #map}]} {
    %mul3A = arith.constant 2 : i32
    %mul3A_0 = arith.muli %arg1, %mul3A : i32
    %add3A = arith.addi %mul3A_0, %arg0 : i32
    %mul3A_1 = arith.constant 10000 : i32
    %mul3A_2 = arith.muli %add3A, %mul3A_1 : i32
    %jit3A = arith.constant 128 : i32
    %div3A = arith.divsi %mul3A_2, %jit3A : i32
    %sign3A = arith.constant 0 : i32
    %sign3A_3 = arith.cmpi sgt, %mul3A_2, %sign3A : i32
    %sign3A_4 = arith.extui %sign3A_3 : i1 to i32
    %sign3A_5 = arith.constant 0 : i32
    %sign3A_6 = arith.cmpi slt, %mul3A_2, %sign3A_5 : i32
    %sign3A_7 = arith.extui %sign3A_6 : i1 to i32
    %sign3A_8 = arith.subi %sign3A_4, %sign3A_7 : i32
    %sign3A_9 = arith.constant 0 : i32
    %sign3A_10 = arith.cmpi sgt, %jit3A, %sign3A_9 : i32
    %sign3A_11 = arith.extui %sign3A_10 : i1 to i32
    %sign3A_12 = arith.constant 0 : i32
    %sign3A_13 = arith.cmpi slt, %jit3A, %sign3A_12 : i32
    %sign3A_14 = arith.extui %sign3A_13 : i1 to i32
    %sign3A_15 = arith.subi %sign3A_11, %sign3A_14 : i32
    %ne3A = arith.cmpi ne, %sign3A_8, %sign3A_15 : i32
    %rem3A = arith.remsi %mul3A_2, %jit3A : i32
    %ne3A_16 = arith.constant 0 : i32
    %ne3A_17 = arith.cmpi ne, %rem3A, %ne3A_16 : i32
    %and3A = arith.andi %ne3A, %ne3A_17 : i1
    %sub3A = arith.constant 1 : i32
    %sub3A_18 = arith.subi %div3A, %sub3A : i32
    %select_n3A = arith.select %and3A, %sub3A_18, %div3A : i32
    %mul3A_19 = arith.constant 128 : i32
    %mul3A_20 = arith.muli %select_n3A, %mul3A_19 : i32
    %sub3A_21 = arith.subi %mul3A_2, %mul3A_20 : i32
    %dma_start3A = arith.constant 0 : i32
    %dma_start3A_22 = tpu.memref_slice %arg2[%dma_start3A, %mul3A_20] : memref<2x320000xi32, #tpu.memory_space<hbm>> -> memref<2x10112xi32, #tpu.memory_space<hbm>>
    %dma_start3A_23 = arith.constant 0 : i32
    %dma_start3A_24 = tpu.memref_slice %arg2[%dma_start3A_23, %mul3A_20] : memref<2x320000xi32, #tpu.memory_space<hbm>> -> memref<2x10112xi32, #tpu.memory_space<hbm>>
    tpu.enqueue_dma source(%dma_start3A_24 : memref<2x10112xi32, #tpu.memory_space<hbm>>) target(%arg4 : memref<2x10112xi32, #tpu.memory_space<vmem>>) target_semaphore(%arg6 : memref<!tpu.dma_semaphore, #tpu.memory_space<semaphore_mem>>)
    %broadcast_in_dim3A = arith.constant 0.000000e+00 : f32
    %broadcast_in_dim3A_25 = vector.broadcast %broadcast_in_dim3A : f32 to vector<16xf32>
    %scan3A = arith.constant 0 : i32
    %scan3A_26 = arith.constant 0 : i32
    %scan3A_27 = arith.constant 80 : i32
    %scan3A_28 = arith.addi %scan3A_26, %scan3A_27 : i32
    %scan3A_29 = arith.constant 1 : i32
    scf.for %scan3A_47 = %scan3A_26 to %scan3A_28 step %scan3A_29  : i32 {
      %mul3A_48 = arith.constant 8 : i32
      %mul3A_49 = arith.muli %scan3A_47, %mul3A_48 : i32
      %add3A_50 = arith.constant 0 : i32
      %add3A_51 = arith.addi %mul3A_49, %add3A_50 : i32
      %mul3A_52 = arith.constant 16 : i32
      %mul3A_53 = arith.muli %add3A_51, %mul3A_52 : i32
      %swap3A = arith.index_cast %mul3A_53 : i32 to index
      %swap3A_54 = tpu.vector_load %arg5[%swap3A] {strides = array<i32>} : memref<10240xf32, #tpu.memory_space<vmem>>, vector<16xf32>,
      tpu.vector_store %arg5[%swap3A], %broadcast_in_dim3A_25 {strides = array<i32>} : memref<10240xf32, #tpu.memory_space<vmem>>, vector<16xf32>,
      %mul3A_55 = arith.constant 8 : i32
      %mul3A_56 = arith.muli %scan3A_47, %mul3A_55 : i32
      %add3A_57 = arith.constant 1 : i32
      %add3A_58 = arith.addi %mul3A_56, %add3A_57 : i32
      %mul3A_59 = arith.constant 16 : i32
      %mul3A_60 = arith.muli %add3A_58, %mul3A_59 : i32
      %swap3A_61 = arith.index_cast %mul3A_60 : i32 to index
      %swap3A_62 = tpu.vector_load %arg5[%swap3A_61] {strides = array<i32>} : memref<10240xf32, #tpu.memory_space<vmem>>, vector<16xf32>,
      tpu.vector_store %arg5[%swap3A_61], %broadcast_in_dim3A_25 {strides = array<i32>} : memref<10240xf32, #tpu.memory_space<vmem>>, vector<16xf32>,
      %mul3A_63 = arith.constant 8 : i32
      %mul3A_64 = arith.muli %scan3A_47, %mul3A_63 : i32
      %add3A_65 = arith.constant 2 : i32
      %add3A_66 = arith.addi %mul3A_64, %add3A_65 : i32
      %mul3A_67 = arith.constant 16 : i32
      %mul3A_68 = arith.muli %add3A_66, %mul3A_67 : i32
      %swap3A_69 = arith.index_cast %mul3A_68 : i32 to index
      %swap3A_70 = tpu.vector_load %arg5[%swap3A_69] {strides = array<i32>} : memref<10240xf32, #tpu.memory_space<vmem>>, vector<16xf32>,
      tpu.vector_store %arg5[%swap3A_69], %broadcast_in_dim3A_25 {strides = array<i32>} : memref<10240xf32, #tpu.memory_space<vmem>>, vector<16xf32>,
      %mul3A_71 = arith.constant 8 : i32
      %mul3A_72 = arith.muli %scan3A_47, %mul3A_71 : i32
      %add3A_73 = arith.constant 3 : i32
      %add3A_74 = arith.addi %mul3A_72, %add3A_73 : i32
      %mul3A_75 = arith.constant 16 : i32
      %mul3A_76 = arith.muli %add3A_74, %mul3A_75 : i32
      %swap3A_77 = arith.index_cast %mul3A_76 : i32 to index
      %swap3A_78 = tpu.vector_load %arg5[%swap3A_77] {strides = array<i32>} : memref<10240xf32, #tpu.memory_space<vmem>>, vector<16xf32>,
      tpu.vector_store %arg5[%swap3A_77], %broadcast_in_dim3A_25 {strides = array<i32>} : memref<10240xf32, #tpu.memory_space<vmem>>, vector<16xf32>,
      %mul3A_79 = arith.constant 8 : i32
      %mul3A_80 = arith.muli %scan3A_47, %mul3A_79 : i32
      %add3A_81 = arith.constant 4 : i32
      %add3A_82 = arith.addi %mul3A_80, %add3A_81 : i32
      %mul3A_83 = arith.constant 16 : i32
      %mul3A_84 = arith.muli %add3A_82, %mul3A_83 : i32
      %swap3A_85 = arith.index_cast %mul3A_84 : i32 to index
      %swap3A_86 = tpu.vector_load %arg5[%swap3A_85] {strides = array<i32>} : memref<10240xf32, #tpu.memory_space<vmem>>, vector<16xf32>,
      tpu.vector_store %arg5[%swap3A_85], %broadcast_in_dim3A_25 {strides = array<i32>} : memref<10240xf32, #tpu.memory_space<vmem>>, vector<16xf32>,
      %mul3A_87 = arith.constant 8 : i32
      %mul3A_88 = arith.muli %scan3A_47, %mul3A_87 : i32
      %add3A_89 = arith.constant 5 : i32
      %add3A_90 = arith.addi %mul3A_88, %add3A_89 : i32
      %mul3A_91 = arith.constant 16 : i32
      %mul3A_92 = arith.muli %add3A_90, %mul3A_91 : i32
      %swap3A_93 = arith.index_cast %mul3A_92 : i32 to index
      %swap3A_94 = tpu.vector_load %arg5[%swap3A_93] {strides = array<i32>} : memref<10240xf32, #tpu.memory_space<vmem>>, vector<16xf32>,
      tpu.vector_store %arg5[%swap3A_93], %broadcast_in_dim3A_25 {strides = array<i32>} : memref<10240xf32, #tpu.memory_space<vmem>>, vector<16xf32>,
      %mul3A_95 = arith.constant 8 : i32
      %mul3A_96 = arith.muli %scan3A_47, %mul3A_95 : i32
      %add3A_97 = arith.constant 6 : i32
      %add3A_98 = arith.addi %mul3A_96, %add3A_97 : i32
      %mul3A_99 = arith.constant 16 : i32
      %mul3A_100 = arith.muli %add3A_98, %mul3A_99 : i32
      %swap3A_101 = arith.index_cast %mul3A_100 : i32 to index
      %swap3A_102 = tpu.vector_load %arg5[%swap3A_101] {strides = array<i32>} : memref<10240xf32, #tpu.memory_space<vmem>>, vector<16xf32>,
      tpu.vector_store %arg5[%swap3A_101], %broadcast_in_dim3A_25 {strides = array<i32>} : memref<10240xf32, #tpu.memory_space<vmem>>, vector<16xf32>,
      %mul3A_103 = arith.constant 8 : i32
      %mul3A_104 = arith.muli %scan3A_47, %mul3A_103 : i32
      %add3A_105 = arith.constant 7 : i32
      %add3A_106 = arith.addi %mul3A_104, %add3A_105 : i32
      %mul3A_107 = arith.constant 16 : i32
      %mul3A_108 = arith.muli %add3A_106, %mul3A_107 : i32
      %swap3A_109 = arith.index_cast %mul3A_108 : i32 to index
      %swap3A_110 = tpu.vector_load %arg5[%swap3A_109] {strides = array<i32>} : memref<10240xf32, #tpu.memory_space<vmem>>, vector<16xf32>,
      tpu.vector_store %arg5[%swap3A_109], %broadcast_in_dim3A_25 {strides = array<i32>} : memref<10240xf32, #tpu.memory_space<vmem>>, vector<16xf32>,
    }
    %scan3A_30 = arith.constant 80 : i32
    %dma_wait3A = arith.constant 0 : i32
    %dma_wait3A_31 = tpu.memref_slice %arg2[%dma_wait3A, %mul3A_20] : memref<2x320000xi32, #tpu.memory_space<hbm>> -> memref<2x10112xi32, #tpu.memory_space<hbm>>
    %dma_wait3A_32 = arith.constant 0 : i32
    %dma_wait3A_33 = tpu.memref_slice %arg2[%dma_wait3A_32, %mul3A_20] : memref<2x320000xi32, #tpu.memory_space<hbm>> -> memref<2x10112xi32, #tpu.memory_space<hbm>>
    tpu.wait_dma2 semaphore(%arg6 : memref<!tpu.dma_semaphore, #tpu.memory_space<semaphore_mem>>) src(%dma_wait3A_33 : memref<2x10112xi32, #tpu.memory_space<hbm>>) dst(%arg4 : memref<2x10112xi32, #tpu.memory_space<vmem>>)
    %broadcast_in_dim3A_34 = arith.constant 1.000000e+00 : f32
    %broadcast_in_dim3A_35 = vector.broadcast %broadcast_in_dim3A_34 : f32 to vector<16xf32>
    %scan3A_36 = arith.constant 0 : i32
    %scan3A_37 = arith.constant 0 : i32
    %scan3A_38 = arith.constant 78 : i32
    %scan3A_39 = arith.addi %scan3A_37, %scan3A_38 : i32
    %scan3A_40 = arith.constant 1 : i32
    scf.for %scan3A_47 = %scan3A_37 to %scan3A_39 step %scan3A_40  : i32 {
      %mul3A_48 = arith.constant 8 : i32
      %mul3A_49 = arith.muli %scan3A_47, %mul3A_48 : i32
      %add3A_50 = arith.constant 0 : i32
      %add3A_51 = arith.addi %mul3A_49, %add3A_50 : i32
      %mul3A_52 = arith.constant 16 : i32
      %mul3A_53 = arith.muli %add3A_51, %mul3A_52 : i32
      %add3A_54 = arith.addi %sub3A_21, %mul3A_53 : i32
      %get3A_55 = arith.constant 0 : i32
      %get3A_56 = arith.index_cast %get3A_55 : i32 to index
      %get3A_57 = arith.index_cast %add3A_54 : i32 to index
      %get3A_58 = tpu.vector_load %arg4[%get3A_56, %get3A_57] {strides = array<i32>} : memref<2x10112xi32, #tpu.memory_space<vmem>>, vector<16xi32>,
      tpu.vector_store_idx %arg5[%get3A_58], %broadcast_in_dim3A_35 {add = true} : memref<10240xf32, #tpu.memory_space<vmem>>[vector<16xi32>], vector<16xf32>,
      %mul3A_59 = arith.constant 8 : i32
      %mul3A_60 = arith.muli %scan3A_47, %mul3A_59 : i32
      %add3A_61 = arith.constant 1 : i32
      %add3A_62 = arith.addi %mul3A_60, %add3A_61 : i32
      %mul3A_63 = arith.constant 16 : i32
      %mul3A_64 = arith.muli %add3A_62, %mul3A_63 : i32
      %add3A_65 = arith.addi %sub3A_21, %mul3A_64 : i32
      %get3A_66 = arith.constant 0 : i32
      %get3A_67 = arith.index_cast %get3A_66 : i32 to index
      %get3A_68 = arith.index_cast %add3A_65 : i32 to index
      %get3A_69 = tpu.vector_load %arg4[%get3A_67, %get3A_68] {strides = array<i32>} : memref<2x10112xi32, #tpu.memory_space<vmem>>, vector<16xi32>,
      tpu.vector_store_idx %arg5[%get3A_69], %broadcast_in_dim3A_35 {add = true} : memref<10240xf32, #tpu.memory_space<vmem>>[vector<16xi32>], vector<16xf32>,
      %mul3A_70 = arith.constant 8 : i32
      %mul3A_71 = arith.muli %scan3A_47, %mul3A_70 : i32
      %add3A_72 = arith.constant 2 : i32
      %add3A_73 = arith.addi %mul3A_71, %add3A_72 : i32
      %mul3A_74 = arith.constant 16 : i32
      %mul3A_75 = arith.muli %add3A_73, %mul3A_74 : i32
      %add3A_76 = arith.addi %sub3A_21, %mul3A_75 : i32
      %get3A_77 = arith.constant 0 : i32
      %get3A_78 = arith.index_cast %get3A_77 : i32 to index
      %get3A_79 = arith.index_cast %add3A_76 : i32 to index
      %get3A_80 = tpu.vector_load %arg4[%get3A_78, %get3A_79] {strides = array<i32>} : memref<2x10112xi32, #tpu.memory_space<vmem>>, vector<16xi32>,
      tpu.vector_store_idx %arg5[%get3A_80], %broadcast_in_dim3A_35 {add = true} : memref<10240xf32, #tpu.memory_space<vmem>>[vector<16xi32>], vector<16xf32>,
      %mul3A_81 = arith.constant 8 : i32
      %mul3A_82 = arith.muli %scan3A_47, %mul3A_81 : i32
      %add3A_83 = arith.constant 3 : i32
      %add3A_84 = arith.addi %mul3A_82, %add3A_83 : i32
      %mul3A_85 = arith.constant 16 : i32
      %mul3A_86 = arith.muli %add3A_84, %mul3A_85 : i32
      %add3A_87 = arith.addi %sub3A_21, %mul3A_86 : i32
      %get3A_88 = arith.constant 0 : i32
      %get3A_89 = arith.index_cast %get3A_88 : i32 to index
      %get3A_90 = arith.index_cast %add3A_87 : i32 to index
      %get3A_91 = tpu.vector_load %arg4[%get3A_89, %get3A_90] {strides = array<i32>} : memref<2x10112xi32, #tpu.memory_space<vmem>>, vector<16xi32>,
      tpu.vector_store_idx %arg5[%get3A_91], %broadcast_in_dim3A_35 {add = true} : memref<10240xf32, #tpu.memory_space<vmem>>[vector<16xi32>], vector<16xf32>,
      %mul3A_92 = arith.constant 8 : i32
      %mul3A_93 = arith.muli %scan3A_47, %mul3A_92 : i32
      %add3A_94 = arith.constant 4 : i32
      %add3A_95 = arith.addi %mul3A_93, %add3A_94 : i32
      %mul3A_96 = arith.constant 16 : i32
      %mul3A_97 = arith.muli %add3A_95, %mul3A_96 : i32
      %add3A_98 = arith.addi %sub3A_21, %mul3A_97 : i32
      %get3A_99 = arith.constant 0 : i32
      %get3A_100 = arith.index_cast %get3A_99 : i32 to index
      %get3A_101 = arith.index_cast %add3A_98 : i32 to index
      %get3A_102 = tpu.vector_load %arg4[%get3A_100, %get3A_101] {strides = array<i32>} : memref<2x10112xi32, #tpu.memory_space<vmem>>, vector<16xi32>,
      tpu.vector_store_idx %arg5[%get3A_102], %broadcast_in_dim3A_35 {add = true} : memref<10240xf32, #tpu.memory_space<vmem>>[vector<16xi32>], vector<16xf32>,
      %mul3A_103 = arith.constant 8 : i32
      %mul3A_104 = arith.muli %scan3A_47, %mul3A_103 : i32
      %add3A_105 = arith.constant 5 : i32
      %add3A_106 = arith.addi %mul3A_104, %add3A_105 : i32
      %mul3A_107 = arith.constant 16 : i32
      %mul3A_108 = arith.muli %add3A_106, %mul3A_107 : i32
      %add3A_109 = arith.addi %sub3A_21, %mul3A_108 : i32
      %get3A_110 = arith.constant 0 : i32
      %get3A_111 = arith.index_cast %get3A_110 : i32 to index
      %get3A_112 = arith.index_cast %add3A_109 : i32 to index
      %get3A_113 = tpu.vector_load %arg4[%get3A_111, %get3A_112] {strides = array<i32>} : memref<2x10112xi32, #tpu.memory_space<vmem>>, vector<16xi32>,
      tpu.vector_store_idx %arg5[%get3A_113], %broadcast_in_dim3A_35 {add = true} : memref<10240xf32, #tpu.memory_space<vmem>>[vector<16xi32>], vector<16xf32>,
      %mul3A_114 = arith.constant 8 : i32
      %mul3A_115 = arith.muli %scan3A_47, %mul3A_114 : i32
      %add3A_116 = arith.constant 6 : i32
      %add3A_117 = arith.addi %mul3A_115, %add3A_116 : i32
      %mul3A_118 = arith.constant 16 : i32
      %mul3A_119 = arith.muli %add3A_117, %mul3A_118 : i32
      %add3A_120 = arith.addi %sub3A_21, %mul3A_119 : i32
      %get3A_121 = arith.constant 0 : i32
      %get3A_122 = arith.index_cast %get3A_121 : i32 to index
      %get3A_123 = arith.index_cast %add3A_120 : i32 to index
      %get3A_124 = tpu.vector_load %arg4[%get3A_122, %get3A_123] {strides = array<i32>} : memref<2x10112xi32, #tpu.memory_space<vmem>>, vector<16xi32>,
      tpu.vector_store_idx %arg5[%get3A_124], %broadcast_in_dim3A_35 {add = true} : memref<10240xf32, #tpu.memory_space<vmem>>[vector<16xi32>], vector<16xf32>,
      %mul3A_125 = arith.constant 8 : i32
      %mul3A_126 = arith.muli %scan3A_47, %mul3A_125 : i32
      %add3A_127 = arith.constant 7 : i32
      %add3A_128 = arith.addi %mul3A_126, %add3A_127 : i32
      %mul3A_129 = arith.constant 16 : i32
      %mul3A_130 = arith.muli %add3A_128, %mul3A_129 : i32
      %add3A_131 = arith.addi %sub3A_21, %mul3A_130 : i32
      %get3A_132 = arith.constant 0 : i32
      %get3A_133 = arith.index_cast %get3A_132 : i32 to index
      %get3A_134 = arith.index_cast %add3A_131 : i32 to index
      %get3A_135 = tpu.vector_load %arg4[%get3A_133, %get3A_134] {strides = array<i32>} : memref<2x10112xi32, #tpu.memory_space<vmem>>, vector<16xi32>,
      tpu.vector_store_idx %arg5[%get3A_135], %broadcast_in_dim3A_35 {add = true} : memref<10240xf32, #tpu.memory_space<vmem>>[vector<16xi32>], vector<16xf32>,
    }
    %scan3A_41 = arith.constant 78 : i32
    %add3A_42 = arith.constant 9984 : i32
    %add3A_43 = arith.addi %sub3A_21, %add3A_42 : i32
    %get3A = arith.constant 0 : i32
    %get3A_44 = arith.index_cast %get3A : i32 to index
    %get3A_45 = arith.index_cast %add3A_43 : i32 to index
    %get3A_46 = tpu.vector_load %arg4[%get3A_44, %get3A_45] {strides = array<i32>} : memref<2x10112xi32, #tpu.memory_space<vmem>>, vector<16xi32>,
    tpu.vector_store_idx %arg5[%get3A_46], %broadcast_in_dim3A_35 {add = true} : memref<10240xf32, #tpu.memory_space<vmem>>[vector<16xi32>], vector<16xf32>,
    "tpu.region"() ({
      %run_scoped3A = tpu.sem_alloc : memref<!tpu.dma_semaphore, #tpu.memory_space<semaphore_mem>>
      %dma_start3A_47 = arith.constant 0 : i32
      %dma_start3A_48 = tpu.memref_slice %arg3[%add3A, %dma_start3A_47] : memref<32x10240xf32, #tpu.memory_space<hbm>> -> memref<1x10240xf32, #tpu.memory_space<hbm>>
      %dma_start3A_49 = tpu.memref_squeeze %dma_start3A_48 : memref<1x10240xf32, #tpu.memory_space<hbm>> -> memref<10240xf32, #tpu.memory_space<hbm>>
      %dma_start3A_50 = arith.constant 0 : i32
      %dma_start3A_51 = tpu.memref_slice %arg3[%add3A, %dma_start3A_50] : memref<32x10240xf32, #tpu.memory_space<hbm>> -> memref<1x10240xf32, #tpu.memory_space<hbm>>
      %dma_start3A_52 = tpu.memref_squeeze %dma_start3A_51 : memref<1x10240xf32, #tpu.memory_space<hbm>> -> memref<10240xf32, #tpu.memory_space<hbm>>
      tpu.enqueue_dma source(%arg5 : memref<10240xf32, #tpu.memory_space<vmem>>) target(%dma_start3A_52 : memref<10240xf32, #tpu.memory_space<hbm>>) target_semaphore(%run_scoped3A : memref<!tpu.dma_semaphore, #tpu.memory_space<semaphore_mem>>)
      %dma_wait3A_53 = arith.constant 0 : i32
      %dma_wait3A_54 = tpu.memref_slice %arg3[%add3A, %dma_wait3A_53] : memref<32x10240xf32, #tpu.memory_space<hbm>> -> memref<1x10240xf32, #tpu.memory_space<hbm>>
      %dma_wait3A_55 = tpu.memref_squeeze %dma_wait3A_54 : memref<1x10240xf32, #tpu.memory_space<hbm>> -> memref<10240xf32, #tpu.memory_space<hbm>>
      %dma_wait3A_56 = arith.constant 0 : i32
      %dma_wait3A_57 = tpu.memref_slice %arg3[%add3A, %dma_wait3A_56] : memref<32x10240xf32, #tpu.memory_space<hbm>> -> memref<1x10240xf32, #tpu.memory_space<hbm>>
      %dma_wait3A_58 = tpu.memref_squeeze %dma_wait3A_57 : memref<1x10240xf32, #tpu.memory_space<hbm>> -> memref<10240xf32, #tpu.memory_space<hbm>>
      tpu.wait_dma2 semaphore(%run_scoped3A : memref<!tpu.dma_semaphore, #tpu.memory_space<semaphore_mem>>) src(%arg5 : memref<10240xf32, #tpu.memory_space<vmem>>) dst(%dma_wait3A_58 : memref<10240xf32, #tpu.memory_space<hbm>>)
      tpu.yield
    }) : () -> ()
    return
  }
}

module attributes {stable_mosaic.version = 14 : i64} {
  func.func @_tc_main_body(%arg0: i32, %arg1: memref<32x10240xf32, #tpu.memory_space<vmem>>, %arg2: memref<5120x128xf32, #tpu.memory_space<vmem>>, %arg3: memref<128x3xf32, #tpu.memory_space<vmem>>, %arg4: memref<1x128xf32, #tpu.memory_space<vmem>>, %arg5: memref<5120x128xf32, #tpu.memory_space<vmem>>, %arg6: memref<1x1xf32, #tpu.memory_space<smem>>) attributes {dimension_semantics = [#tpu.dimension_semantics<arbitrary>], iteration_bounds = array<i64: 2>, scalar_prefetch = 0 : i64, scratch_operands = 1 : i64, tpu.core_type = #tpu.core_type<tc>, window_params = [{pipeline_mode = #tpu.pipeline_mode<synchronous>, transform_indices = @transform_0, window_bounds = array<i64: 32, 10240>}, {transform_indices = @transform_1, window_bounds = array<i64: 5120, 128>}, {pipeline_mode = #tpu.pipeline_mode<synchronous>, transform_indices = @transform_2, window_bounds = array<i64: 128, 3>}, {pipeline_mode = #tpu.pipeline_mode<synchronous>, transform_indices = @transform_3, window_bounds = array<i64: 1, 128>}, {transform_indices = @transform_4, window_bounds = array<i64: 5120, 128>}]} {
    %eq3A = arith.constant 0 : i32
    %eq3A_0 = arith.cmpi eq, %arg0, %eq3A : i32
    %convert_element_type3A = arith.extui %eq3A_0 : i1 to i32
    %cond3A = arith.constant 0 : i32
    %cond3A_1 = arith.cmpi ne, %convert_element_type3A, %cond3A : i32
    scf.if %cond3A_1 {
      %get3A_36 = arith.constant 0 : index
      %get3A_37 = arith.constant 0 : index
      %get3A_38 = vector.load %arg1[%get3A_36, %get3A_37] : memref<32x10240xf32, #tpu.memory_space<vmem>>, vector<32x10240xf32>
      %reduce_sum3A_39 = arith.constant dense<0.000000e+00> : vector<10240xf32>
      %reduce_sum3A_40 = vector.multi_reduction <add>, %get3A_38, %reduce_sum3A_39 [0] : vector<32x10240xf32> to vector<10240xf32>
      %broadcast_in_dim3A_41 = vector.shape_cast %reduce_sum3A_40 : vector<10240xf32> to vector<1x10240xf32>
      %reduce_max3A = vector.shape_cast %broadcast_in_dim3A_41 : vector<1x10240xf32> to vector<1x1x10240xf32>
      %reduce_max3A_42 = arith.constant dense<0xFF800000> : vector<1xf32>
      %reduce_max3A_43 = vector.multi_reduction <maximumf>, %reduce_max3A, %reduce_max3A_42 [1, 2] : vector<1x1x10240xf32> to vector<1xf32>
      %reduce_max3A_44 = vector.shape_cast %reduce_max3A_43 : vector<1xf32> to vector<1x1x1xf32>
      %reduce_max3A_45 = vector.extract %reduce_max3A_44[0, 0, 0] : f32 from vector<1x1x1xf32>
      %add3A_46 = arith.constant 9.99999993E-9 : f32
      %add3A_47 = arith.addf %reduce_max3A_45, %add3A_46 : f32
      %div3A = arith.constant 1.000000e+00 : f32
      %div3A_48 = arith.divf %div3A, %add3A_47 : f32
      %swap3A_49 = arith.constant 0 : index
      %swap3A_50 = arith.constant 0 : index
      %swap3A_51 = memref.load %arg6[%swap3A_49, %swap3A_50] : memref<1x1xf32, #tpu.memory_space<smem>>
      memref.store %div3A_48, %arg6[%swap3A_49, %swap3A_50] : memref<1x1xf32, #tpu.memory_space<smem>>
    } else {
    }
    %get3A = arith.constant 0 : index
    %get3A_2 = arith.constant 0 : index
    %get3A_3 = memref.load %arg6[%get3A, %get3A_2] : memref<1x1xf32, #tpu.memory_space<smem>>
    %mul3A = arith.constant 5120 : i32
    %mul3A_4 = arith.muli %arg0, %mul3A : i32
    %get3A_5 = arith.constant 0 : index
    %get3A_6 = arith.index_cast %mul3A_4 : i32 to index
    %get3A_7 = vector.load %arg1[%get3A_5, %get3A_6] : memref<32x10240xf32, #tpu.memory_space<vmem>>, vector<32x5120xf32>
    %reduce_sum3A = arith.constant dense<0.000000e+00> : vector<5120xf32>
    %reduce_sum3A_8 = vector.multi_reduction <add>, %get3A_7, %reduce_sum3A [0] : vector<32x5120xf32> to vector<5120xf32>
    %broadcast_in_dim3A = vector.shape_cast %reduce_sum3A_8 : vector<5120xf32> to vector<1x5120xf32>
    %mul3A_9 = vector.broadcast %get3A_3 : f32 to vector<1x5120xf32>
    %mul3A_10 = arith.mulf %broadcast_in_dim3A, %mul3A_9 : vector<1x5120xf32>
    %iota3A = tpu.iota {dimensions = array<i32: 1>} : vector<1x5120xi32>
    %mul3A_11 = arith.constant 5120 : i32
    %mul3A_12 = arith.muli %arg0, %mul3A_11 : i32
    %add3A = vector.broadcast %mul3A_12 : i32 to vector<1x5120xi32>
    %add3A_13 = arith.addi %iota3A, %add3A : vector<1x5120xi32>
    %convert_element_type3A_14 = arith.sitofp %add3A_13 : vector<1x5120xi32> to vector<1x5120xf32>
    %mul3A_15 = arith.constant 1.000100e-04 : f32
    %mul3A_16 = vector.broadcast %mul3A_15 : f32 to vector<1x5120xf32>
    %mul3A_17 = arith.mulf %convert_element_type3A_14, %mul3A_16 : vector<1x5120xf32>
    %add3A_18 = arith.constant 9.99999993E-9 : f32
    %add3A_19 = vector.broadcast %add3A_18 : f32 to vector<1x5120xf32>
    %add3A_20 = arith.addf %mul3A_10, %add3A_19 : vector<1x5120xf32>
    %sqrt3A = math.sqrt %add3A_20 : vector<1x5120xf32>
    %concatenate3A = tpu.concatenate %mul3A_10, %mul3A_17, %sqrt3A in 0 : vector<1x5120xf32>, vector<1x5120xf32>, vector<1x5120xf32> -> vector<3x5120xf32>
    %get3A_21 = arith.constant 0 : index
    %get3A_22 = arith.constant 0 : index
    %get3A_23 = vector.load %arg3[%get3A_21, %get3A_22] : memref<128x3xf32, #tpu.memory_space<vmem>>, vector<128x3xf32>
    %dot_general3A = arith.constant dense<0.000000e+00> : vector<5120x128xf32>
    %dot_general3A_24 = tpu.matmul %concatenate3A, %get3A_23, %dot_general3A {dimension_numbers = #tpu.dot_dimension_numbers<[0], [1], [1], [0], [0, 1, 1, 0], [], []>, precision = #tpu.contract_precision<fp32>, transpose_lhs_hint = false} : vector<3x5120xf32>, vector<128x3xf32>, vector<5120x128xf32> -> vector<5120x128xf32>
    %get3A_25 = arith.constant 0 : index
    %get3A_26 = arith.constant 0 : index
    %get3A_27 = vector.load %arg2[%get3A_25, %get3A_26] : memref<5120x128xf32, #tpu.memory_space<vmem>>, vector<5120x128xf32>
    %add3A_28 = arith.addf %get3A_27, %dot_general3A_24 : vector<5120x128xf32>
    %get3A_29 = arith.constant 0 : index
    %get3A_30 = arith.constant 0 : index
    %get3A_31 = vector.load %arg4[%get3A_29, %get3A_30] : memref<1x128xf32, #tpu.memory_space<vmem>>, vector<1x128xf32>
    %add3A_32 = vector.broadcast %get3A_31 : vector<1x128xf32> to vector<5120x128xf32>
    %add3A_33 = arith.addf %add3A_28, %add3A_32 : vector<5120x128xf32>
    %swap3A = arith.constant 0 : index
    %swap3A_34 = arith.constant 0 : index
    %swap3A_35 = vector.load %arg5[%swap3A, %swap3A_34] : memref<5120x128xf32, #tpu.memory_space<vmem>>, vector<5120x128xf32>
    tpu.vector_store %arg5[%swap3A, %swap3A_34], %add3A_33 {strides = array<i32>} : memref<5120x128xf32, #tpu.memory_space<vmem>>, vector<5120x128xf32>,
    return
  }
  func.func @transform_0(%arg0: i32) -> (i32, i32) {
    %c0_i32 = arith.constant 0 : i32
    %c0_i32_0 = arith.constant 0 : i32
    %c0_i32_1 = arith.constant 0 : i32
    return %c0_i32, %c0_i32_0 : i32, i32
  }
  func.func @transform_1(%arg0: i32) -> (i32, i32) {
    %c0_i32 = arith.constant 0 : i32
    %c0_i32_0 = arith.constant 0 : i32
    return %arg0, %c0_i32 : i32, i32
  }
  func.func @transform_2(%arg0: i32) -> (i32, i32) {
    %c0_i32 = arith.constant 0 : i32
    %c0_i32_0 = arith.constant 0 : i32
    %c0_i32_1 = arith.constant 0 : i32
    return %c0_i32, %c0_i32_0 : i32, i32
  }
  func.func @transform_3(%arg0: i32) -> (i32, i32) {
    %c0_i32 = arith.constant 0 : i32
    %c0_i32_0 = arith.constant 0 : i32
    %c0_i32_1 = arith.constant 0 : i32
    return %c0_i32, %c0_i32_0 : i32, i32
  }
  func.func @transform_4(%arg0: i32) -> (i32, i32) {
    %c0_i32 = arith.constant 0 : i32
    %c0_i32_0 = arith.constant 0 : i32
    return %arg0, %c0_i32 : i32, i32
  }
}

</mosaic_0001>

<sc_bundles>
// kernel: kernel.4.cloned.1.call-start
scs
__scs_entry_jumppad:
0x0: {  	(pc) =	sbr.rel $0x88, $3  }
0x1: {  	(tag) =	ssettag $0x0;
	lr =	simm.s32 $0x1  }
0x2: {  	[smem:$0x3F9D] =	sst lr;
	_ =	strace $0xD0000000  }
0x3: {  	_ = 	snop  }
0x4: {  	_ = 	snop  }
0x5: {  	_ = 	snop  }
0x6: {  	_ = 	snop  }
0x7: {  	_ = 	snop  }
__scs_overlays_trampoline_lowered:
0x8: {  	[smem:$0x3FAC] =	sst s0  }
0x9: {  	[smem:$0x3FAD] =	sst s1  }
0xa: {  	[smem:$0x3FAE] =	sst s2  }
0xb: {  	[smem:$0x3FAF] =	sst s3  }
0xc: {  	[smem:$0x3FB0] =	sst s4  }
0xd: {  	[smem:$0x3FB1] =	sst s5  }
0xe: {  	[smem:$0x3FB2] =	sst s6  }
0xf: {  	[smem:$0x3FB3] =	sst s7  }
0x10: {  	[smem:$0x3FB4] =	sst s8  }
0x11: {  	[smem:$0x3FB5] =	sst s9;
	s0 =	simm.s32 @!p0 $0x0  }
0x12: {  	s1 =	sld [smem:$0x3F9B];
	s0 =	simm.s32 @p0 $0x1  }
0x13: {  	[smem:$0x3FB6] =	sst s0;
	s0 =	simm.s32 @!p1 $0x0  }
0x14: {  	s2 =	sld [smem:$0x3F9A];
	s0 =	simm.s32 @p1 $0x1  }
0x15: {  	[smem:$0x3FB7] =	sst s0;
	s0 =	simm.s32 @!p2 $0x0  }
0x16: {  	s3 =	sld [smem:$0x3FDB];
	s0 =	simm.s32 @p2 $0x1  }
0x17: {  	s4 =	simm.s32 $0x1BF5;
	[smem:$0x3FB9] =	sst s0  }
0x18: {  	s0 =	sld [smem:$0x3F9C];
	_ =	swait.ge [sflag:s4], $0x0  }
0x19: {  	s7 =	sld [smem:$0x3F9D]  }
0x1a: {  	s8 =	sadd.s32 $0xFFFFE003, lr  }
0x1b: {  	s9 =	sadd.s32 $0xFFFFFEF7, lr;
	s5 =	simm.s32 $0xFFFFFFFF;
	p2 =	slt.u32 s8, $0xFFFFF086  }
0x1c: {  	p1 =	slt.u32 s9, $0xF7A;
	s5 =	simm.s32 @!p2 $0x0  }
0x1d: {  	s5 =	simm.s32 @p1 $0x1;
	p0 =	seq.s32 s7, s2  }
0x1e: {  	s7 =	smul.u32 @!p0 $0xF7A, s2;
	p2 =	seq.s32 @!p0 s5, $0x0  }
0x1f: {  	s9 =	smul.u32 $0xF7A, s1;
	s8 =	simm.s32 @!p0 $0x1BF5;
	p2 =	por !p2, p0  }
0x20: {  	[sflag:s8] =	ssyncset.s32 @!p0 $0xFFFFF086;
	s6 =	sadd.s32 @!p0 s3, s7;
	s7 =	simm.s32 @!p0 $0x108  }
0x21: {  	s3 =	sadd.s32 s3, s9;
	s6 =	sadd.s32 @!p0 $0x88, s6;
	s7 =	simm.s32 @p2 $0x1082  }
0x22: {  	[simem:s7], [sflag:s8] =	dma.local @!p0 [hbm:s6], $0xF7A  }
0x23: {  	s9 =	sor.u32 $0xD0000000, s2;
	s6 =	simm.s32 $0x108;
	_ =	swait.ge @!p0 [sflag:s8], $0x0  }
0x24: {  	s3 =	sadd.s32 $0x88, s3;
	s6 =	simm.s32 @!p1 $0x1082;
	[sflag:s4] =	ssyncset.s32 $0xFFFFF086  }
0x25: {  	[simem:s6], [sflag:s4] =	dma.local [hbm:s3], $0xF7A  }
0x26: {  	[smem:$0x3F9D] =	sst s1;
	(tag) =	ssettag s2;
	_ =	strace s9  }
0x27: {  	s1 =	sld [smem:$0x3FAD]  }
0x28: {  	s2 =	sld [smem:$0x3FAE]  }
0x29: {  	s4 =	sld [smem:$0x3FB0]  }
0x2a: {  	p0 =	seq.s32 s5, $0x0;
	s5 =	sld [smem:$0x3FB1]  }
0x2b: {  	s6 =	sld [smem:$0x3FB2]  }
0x2c: {  	s7 =	sld [smem:$0x3FB3]  }
0x2d: {  	s3 =	simm.s32 $0x108;
	s8 =	sld [smem:$0x3FB4]  }
0x2e: {  	s3 =	simm.s32 @!p0 $0x1082;
	s9 =	sld [smem:$0x3FB5]  }
0x2f: {  	lr =	sadd.s32 s0, s3;
	s0 =	sld [smem:$0x3FAC]  }
0x30: {  	s3 =	sld [smem:$0x3FAF]  }
0x31: {  	[smem:$0x3FB8] =	sst s10  }
0x32: {  	s10 =	sld [smem:$0x3FB6];
	_ =	sdelay $0x3  }
0x33: {  	p0 =	seq.s32 s10, $0x1;
	s10 =	sld [smem:$0x3FB8];
	_ =	sdelay $0x3  }
0x34: {  	[smem:$0x3FB8] =	sst s10  }
0x35: {  	s10 =	sld [smem:$0x3FB7];
	_ =	sdelay $0x3  }
0x36: {  	p1 =	seq.s32 s10, $0x1;
	s10 =	sld [smem:$0x3FB8];
	_ =	sdelay $0x3  }
0x37: {  	[smem:$0x3FB8] =	sst s10  }
0x38: {  	s10 =	sld [smem:$0x3FB9]  }
0x39: {  	_ = 	snop;
	(pc) =	sbr.ind lr, $3  }
0x3a: {  	_ = 	snop  }
0x3b: {  	_ = 	snop  }
0x3c: {  	p2 =	seq.s32 s10, $0x1;
	s10 =	sld [smem:$0x3FB8]  }
0x3d: {  	_ =	shalt  }
0x3e: {  	_ =	shalt  }
0x3f: {  	_ =	shalt  }
0x40: {  	_ =	shalt  }
0x41: {  	_ =	shalt  }
0x42: {  	_ =	shalt  }
0x43: {  	_ =	shalt  }
0x44: {  	_ =	shalt  }
0x45: {  	_ =	shalt  }
0x46: {  	_ =	shalt  }
0x47: {  	_ =	shalt  }
0x48: {  	_ =	shalt  }
0x49: {  	_ =	shalt  }
0x4a: {  	_ =	shalt  }
0x4b: {  	_ =	shalt  }
0x4c: {  	_ =	shalt  }
0x4d: {  	_ =	shalt  }
0x4e: {  	_ =	shalt  }
0x4f: {  	_ =	shalt  }
0x50: {  	_ =	shalt  }
0x51: {  	_ =	shalt  }
0x52: {  	_ =	shalt  }
0x53: {  	_ =	shalt  }
0x54: {  	_ =	shalt  }
0x55: {  	_ =	shalt  }
0x56: {  	_ =	shalt  }
0x57: {  	_ =	shalt  }
0x58: {  	_ =	shalt  }
0x59: {  	_ =	shalt  }
0x5a: {  	_ =	shalt  }
0x5b: {  	_ =	shalt  }
0x5c: {  	_ =	shalt  }
0x5d: {  	_ =	shalt  }
0x5e: {  	_ =	shalt  }
0x5f: {  	_ =	shalt  }
0x60: {  	_ =	shalt  }
0x61: {  	_ =	shalt  }
0x62: {  	_ =	shalt  }
0x63: {  	_ =	shalt  }
0x64: {  	_ =	shalt  }
0x65: {  	_ =	shalt  }
0x66: {  	_ =	shalt  }
0x67: {  	_ =	shalt  }
0x68: {  	_ =	shalt  }
0x69: {  	_ =	shalt  }
0x6a: {  	_ =	shalt  }
0x6b: {  	_ =	shalt  }
0x6c: {  	_ =	shalt  }
0x6d: {  	_ =	shalt  }
0x6e: {  	_ =	shalt  }
0x6f: {  	_ =	shalt  }
0x70: {  	_ =	shalt  }
0x71: {  	_ =	shalt  }
0x72: {  	_ =	shalt  }
0x73: {  	_ =	shalt  }
0x74: {  	_ =	shalt  }
0x75: {  	_ =	shalt  }
0x76: {  	_ =	shalt  }
0x77: {  	_ =	shalt  }
0x78: {  	_ =	shalt  }
0x79: {  	_ =	shalt  }
0x7a: {  	_ =	shalt  }
0x7b: {  	_ =	shalt  }
0x7c: {  	_ =	shalt  }
0x7d: {  	_ =	shalt  }
0x7e: {  	_ =	shalt  }
0x7f: {  	_ =	shalt  }
0x80: {  	_ =	shalt  }
0x81: {  	_ =	shalt  }
0x82: {  	_ =	shalt  }
0x83: {  	_ =	shalt  }
0x84: {  	_ =	shalt  }
0x85: {  	_ =	shalt  }
0x86: {  	_ =	shalt  }
0x87: {  	_ =	shalt  }
.Lfunc_end0:
.L_simem_size_0:
called_computation_lowered:
.L_overlay_start_0:
0x88: {  	s2 =	sld [smem:$0x3FD9]  }
0x89: {  	s3 =	sld [smem:$0x3FFE];
	_ =	sdelay $0x1  }
0x8a: {  	s1 =	srdreg.scid  }
0x8b: {  	s0 =	sand.u32 $0x1, s1  }
0x8c: {  	s18 =	sshll.u32 s0, $0xA;
	s2 =	sadd.s32 s3, s2  }
0x8d: {  	s2 =	sadd.s32 s2, s18  }
0x8e: {  	[smem:$0x3FC4] =	sst s2  }
0x8f: {  	_ = 	snop  }
0x90: {  	s2 =	sld [smem:$0x3FC8]  }
0x91: {  	s19 =	sld [smem:$0x3FD0];
	(tm) =	ssettm $0x1  }
0x92: {  	s4 =	sld [smem:$0x3FFB];
	_ =	sdelay $0x3  }
0x93: {  	_ =	strace s4  }
0x94: {  	s4 =	sld [smem:$0x3FFC];
	_ =	sdelay $0x3  }
0x95: {  	_ =	strace s4  }
0x96: {  	s4 =	sld [smem:$0x3FFD];
	_ =	sdelay $0x3  }
0x97: {  	_ =	strace s4  }
0x98: {  	_ =	strace $0x8FFFFFFF  }
0x99: {  	s20 =	sld [smem:$0x3FDB];
	_ =	sdelay $0x1  }
0x9a: {  	s5 =	simm.s32 $_scs_section_size  }
0x9b: {  	s6 =	simm.s32 $_size__tile_overlayer_lowered;
	s7 =	simm.s32 $_tile_overlayer_lowered  }
0x9c: {  	s23 =	simm.s32 $0x1BFF;
	s22 =	sshll.u32 s7, $0x1;
	s4 =	sadd.s32 s5, s20  }
0x9d: {  	s8 =	simm.s32 $0x0;
	s21 =	sshll.u32 s6, $0x1;
	s6 =	sadd.s32 s22, s4  }
0x9e: {  	[timem:s8], [sflag:s23] =	dma.local [hbm:s6], s21  }
0x9f: {  	_ =	swait.ge [sflag:s23], s21  }
0xa0: {  	s5 =	ssub.s32 $0x0, s21;
	[sflag:s23] =	ssyncset.done $0x0  }
0xa1: {  	[sflag:s23] =	ssyncadd.s32 s5;
	_ =	sdelay $0x1  }
0xa2: {  	s24 =	simm.s32 $0x1B8B  }
0xa3: {  	_ =	swait.ge [sflag:s24], $0x1  }
0xa4: {  	[sflag:s24] =	ssyncset.done $0x0  }
0xa5: {  	s25 =	simm.s32 $0x1B8E;
	[sflag:s24] =	ssyncadd.s32 $0xFFFFFFFF  }
0xa6: {  	s26 =	simm.s32 $execute0_lowered;
	[smem:$0x3FD2] =	sst s25  }
0xa7: {  	s5 =	sshll.u32 s26, $0x1;
	_ =	strace $0x80000046;
	[dreg:$0x1] =	wrdreg $0xFFFFFFFF  }
0xa8: {  	s28 =	simm.s32 $_size_execute0_lowered;
	s4 =	sadd.s32 s4, s5;
	[dreg:$0x0] =	wrdreg $0x0  }
0xa9: {  	s5 =	sshll.u32 s28, $0x1;
	[dreg:$0x2] =	wrdreg s4  }
0xaa: {  	[dreg:$0x3] =	wrdreg s5  }
0xab: {  	[dreg:$0x4] =	wrdreg $0xC0  }
0xac: {  	_ =	task [dreg:s8], $0x5FFFF  }
0xad: {  	[dreg:$0x1] =	wrdreg $0xFFFFFFFF  }
0xae: {  	[dreg:$0x0] =	wrdreg $0x60  }
0xaf: {  	[dreg:$0x2] =	wrdreg s2  }
0xb0: {  	[dreg:$0x3] =	wrdreg s19  }
0xb1: {  	[dreg:$0x4] =	wrdreg $0x9  }
0xb2: {  	_ =	task.clear_ibuf [dreg:s8], $0x5FFFF;
	_ =	strace $0x90000046  }
0xb3: {  	s29 =	simm.s32 $0x9;
	_ =	strace $0x80000048  }
0xb4: {  	_ =	swait.ge [sflag:s29], $0x1  }
0xb5: {  	[sflag:s29] =	ssyncadd.s32 $0xFFFFFFFF  }
0xb6: {  	_ =	strace $0x90000048  }
0xb7: {  	_ =	sfence  }
0xb8: {  	s30 =	sld [smem:$0x0];
	_ =	sdelay $0x2  }
0xb9: {  	s31 =	sshll.u32 s1, $0xD;
	s1 =	sshrl.u32 s1, $0x2  }
0xba: {  	s3 =	sand.u32 $0x4000, s31;
	s1 =	sadd.s32 s1, s30  }
0xbb: {  	s0 =	sor.u32 s3, s0;
	s1 =	sshll.u32 s1, $0x11  }
0xbc: {  	s0 =	sor.u32 s1, s0  }
0xbd: {  	s0 =	sadd.s32 $0x8F2B, s0  }
0xbe: {  	[sflag:s0] =	ssyncadd.remote.s32 $0x1  }
0xbf: {  	_ =	sfence.sel $0xFFFF  }
0xc0: {  	[dreg:$0x0] =	wrdreg $0xFFFFFFFF;
	(pc) =	sbr.abs _section_cstart, $3  }
0xc1: {  	[dreg:$0x1] =	wrdreg $0xFFFFFFFF  }
0xc2: {  	_ =	task.clear_ibuf [dreg:s8], $0x2FFFF;
	_ =	strace $0x9FFFFFFF  }
0xc3: {  	(tm) =	ssettm $0x7FFFFFFF  }
tec
execute0_lowered:
.L_overlay_start_1:
0x0: {  	(tag) =	ssettag $0x1  }
0x1: {  	s4 =	rddreg [dreg:$0x0];
	s1 =	srdreg.scid  }
0x2: {  	s0 =	stileid.u32;
	s5 =	rddreg [dreg:$0x1];
	s3 =	sand.u32 $0x1, s1  }
0x3: {  	s2 =	sshll.u32 s0, $0x1;
	s1 =	rddreg [dreg:$0x2];
	s10 =	smul.u32 $0x4E20, s0  }
0x4: {  	s11 =	sshrl.u32 s0, $0x2;
	s6 =	sor.u32 s3, s2;
	s29 =	smul.u32 $0x2710, s3  }
0x5: {  	s2 =	simm.s32 $0x0;
	s7 =	ssub.s32 $0x2, s3;
	s11 =	smul.u32 $0x14000, s11  }
0x6: {  	s8 =	smul.u32 $0x2710, s6;
	[smem:$0x7FF] =	sst s2;
	s9 =	sshrl.u32 s7, $0x1  }
0x7: {  	s6 =	sshll.u32 s6, $0x7;
	_ =	strace $0x80000047;
	s7 =	ssub.s32 s7, s9  }
0x8: {  	s9 =	sadd.s32 s29, s10;
	s6 =	sand.u32 $0x380, s6;
	s3 =	sand.u32 $0x70, s8  }
0x9: {  	s8 =	sshrl.u32 s8, $0x2;
	s9 =	sshrl.u32 s9, $0x4;
	s6 =	sor.u32 s11, s6  }
0xa: {  	s8 =	sand.u32 $0x1FFE0, s8;
	s30 =	sand.u32 $0x7, s9;
	s6 =	sshrl.u32 s6, $0x3  }
0xb: {  	s15 =	sadd.s32 $0x6, s9;
	s18 =	sadd.s32 $0x5, s9;
	s13 =	sadd.s32 $0x4, s9  }
0xc: {  	s24 =	sadd.s32 $0x3, s9;
	s25 =	sadd.s32 $0x2, s9;
	s29 =	sadd.s32 $0x1, s9  }
0xd: {  	s9 =	sadd.s32 $0xFFFFFFFF, s9;
	s4 =	sadd.s32 s4, s8;
	s31 =	sshll.u32 s30, $0x7  }
0xe: {  	s5 =	sadd.s32 s5, s6;
	s11 =	sand.u32 $0x7, s15;
	s6 =	smax.u32 s7, $0x1  }
0xf: {  	s13 =	sand.u32 $0x7, s13;
	s9 =	sand.u32 $0x7, s9;
	s8 =	sshll.u32 s30, $0x4  }
0x10: {  	s12 =	sadd.s32 $0x300, s31;
	s11 =	sshll.u32 s11, $0x6;
	s17 =	sadd.s32 $0x280, s31  }
0x11: {  	s14 =	sadd.s32 $0x200, s31;
	s13 =	sshll.u32 s13, $0x6;
	s23 =	sadd.s32 $0x180, s31  }
0x12: {  	s28 =	sadd.s32 $0x80, s31;
	s10 =	sadd.s32 $0x3FC, s31;
	s9 =	sshll.u32 s9, $0x6  }
0x13: {  	v2 =	vmov s8;
	s8 =	simm.s32 $0x4F00;
	s16 =	sand.u32 $0x400, s12;
	s12 =	sand.u32 $0x7, s18  }
0x14: {  	s19 =	sand.u32 $0x400, s14;
	s10 =	sand.u32 $0x400, s10;
	s7 =	sor.u32 s11, s16  }
0x15: {  	s11 =	sand.u32 $0x400, s17;
	s12 =	sshll.u32 s12, $0x6;
	s21 =	sor.u32 s13, s19  }
0x16: {  	s16 =	sadd.s32 $0x100, s31;
	s13 =	sand.u32 $0x7, s25;
	s9 =	sor.u32 s9, s10  }
0x17: {  	s10 =	simm.s32 $0x400;
	s11 =	sor.u32 s12, s11;
	s20 =	sshrl.u32 s7, $0x2  }
0x18: {  	s22 =	sshrl.u32 s21, $0x2;
	s7 =	sand.u32 $0x400, s23;
	s12 =	sand.u32 $0x7, s24  }
0x19: {  	s26 =	sand.u32 $0x400, s16;
	s13 =	sshll.u32 s13, $0x6;
	s16 =	sand.u32 $0x7, s29  }
0x1a: {  	s31 =	sshrl.u32 s9, $0x2;
	s12 =	sshll.u32 s12, $0x6;
	s16 =	sshll.u32 s16, $0x6  }
0x1b: {  	s7 =	sor.u32 s12, s7;
	s12 =	sor.u32 s13, s26;
	s13 =	sand.u32 $0x400, s28  }
0x1c: {  	v0 =	vimm.f32 $0.0e+00;
	v1 =	vimm.f32 $1.000000000e+00;
	s9 =	simm.s32 $0x80;
	s15 =	sshrl.u32 s11, $0x2;
	v6 =	vmov s22;
	s13 =	sor.u32 s16, s13  }
0x1d: {  	v8 =	vmov s20;
	v9 =	vmov s31;
	v7 =	vmov s15;
	s30 =	sshrl.u32 s7, $0x2;
	s12 =	sshrl.u32 s12, $0x2;
	s13 =	sshrl.u32 s13, $0x2  }
0x1e: {  	s11 =	simm.s32 $0x2;
	s7 =	simm.s32 $0x1;
	v4 =	vmov s12;
	v5 =	vmov s30;
	s12 =	simm.s32 $0x0;
	v3 =	vmov s13  }
.LBB2_1:
0x1f: {  	[tilespmem:s2], [sflag:$0x1] =	stream.linear.gather [hbm4b:s4+s2], $0x4F00, $0x38;
	[tilespmem:$0x7700] =	vst v63  }
0x20: {  	s13 =	simm.s32 $0x0;
	s14 =	simm.s32 $0x200  }
.LBB2_2:
0x21: {  	p0 =	sne.s32 s14, $0x9E00;
	[tilespmem:s13+$0x4F70] =	vst v0  }
0x22: {  	[tilespmem:s13+$0x4F00] =	vst v0  }
0x23: {  	[tilespmem:s13+$0x4F10] =	vst v0  }
.Ltmp0:
0x24: {  	[tilespmem:s13+$0x4F20] =	vst v0;
	(pc) =	sbr.rel @p0 .LBB2_2-.Ltmp0, $4  }
0x25: {  	[tilespmem:s13+$0x4F30] =	vst v0  }
0x26: {  	[tilespmem:s13+$0x4F40] =	vst v0  }
0x27: {  	[tilespmem:s13+$0x4F50] =	vst v0  }
0x28: {  	[tilespmem:s13+$0x4F60] =	vst v0;
	s13 =	sshra.s32 s14, $0x2;
	s14 =	sadd.s32 $0x200, s14  }
0x29: {  	[tilespmem:s13+$0x4F70] =	vst v0  }
0x2a: {  	[tilespmem:s13+$0x4F00] =	vst v0  }
0x2b: {  	[tilespmem:s13+$0x4F10] =	vst v0  }
0x2c: {  	[tilespmem:s13+$0x4F20] =	vst v0  }
0x2d: {  	[tilespmem:s13+$0x4F30] =	vst v0  }
0x2e: {  	[tilespmem:s13+$0x4F40] =	vst v0  }
0x2f: {  	[tilespmem:s13+$0x4F50] =	vst v0  }
0x30: {  	[tilespmem:s13+$0x4F60] =	vst v0  }
0x31: {  	_ =	swait.ge [sflag:s7], $0x4F00  }
0x32: {  	[sflag:s7] =	ssyncset.done $0x0  }
0x33: {  	s13 =	simm.s32 $0x0;
	[sflag:s7] =	ssyncadd.s32 $0xFFFFB100  }
.LBB2_4:
0x34: {  	s14 =	sshra.s32 s13, $0x2  }
0x35: {  	v10 =	vld.idx.msk [tilespmem:v2+s14+$0x0 ss:$0x1], $0xffff;
	_ =	sdelay $0x7  }
0x36: {  	[tilespmem:v10+s8+$0x0] =	vst.idx.add.f32.msk $0xffff, v1  }
0x37: {  	v10 =	vld.idx.msk [tilespmem:v3+s14+$0x0 ss:$0x1], $0xffff;
	_ =	sdelay $0x7  }
0x38: {  	[tilespmem:v10+s8+$0x0] =	vst.idx.add.f32.msk $0xffff, v1  }
0x39: {  	v10 =	vld.idx.msk [tilespmem:v4+s14+$0x0 ss:$0x1], $0xffff;
	_ =	sdelay $0x7  }
0x3a: {  	[tilespmem:v10+s8+$0x0] =	vst.idx.add.f32.msk $0xffff, v1  }
0x3b: {  	v10 =	vld.idx.msk [tilespmem:v5+s14+$0x0 ss:$0x1], $0xffff;
	_ =	sdelay $0x7  }
0x3c: {  	[tilespmem:v10+s8+$0x0] =	vst.idx.add.f32.msk $0xffff, v1  }
0x3d: {  	v10 =	vld.idx.msk [tilespmem:v6+s14+$0x0 ss:$0x1], $0xffff;
	_ =	sdelay $0x7  }
0x3e: {  	[tilespmem:v10+s8+$0x0] =	vst.idx.add.f32.msk $0xffff, v1  }
0x3f: {  	v10 =	vld.idx.msk [tilespmem:v7+s14+$0x0 ss:$0x1], $0xffff;
	_ =	sdelay $0x7  }
0x40: {  	[tilespmem:v10+s8+$0x0] =	vst.idx.add.f32.msk $0xffff, v1  }
0x41: {  	v10 =	vld.idx.msk [tilespmem:v8+s14+$0x0 ss:$0x1], $0xffff;
	_ =	sdelay $0x7  }
0x42: {  	[tilespmem:v10+s8+$0x0] =	vst.idx.add.f32.msk $0xffff, v1  }
0x43: {  	v10 =	vld.idx.msk [tilespmem:v9+s14+$0x0 ss:$0x1], $0xffff;
	_ =	sdelay $0x2  }
0x44: {  	p0 =	sne.s32 s13, $0x13400  }
.Ltmp1:
0x45: {  	_ = 	snop;
	(pc) =	sbr.rel @p0 .LBB2_4-.Ltmp1, $2  }
0x46: {  	_ =	sdelay $0x2  }
0x47: {  	s13 =	sadd.s32 $0x400, s13;
	[tilespmem:v10+s8+$0x0] =	vst.idx.add.f32.msk $0xffff, v1  }
0x48: {  	v10 =	vld [tilespmem:s3+$0x4E00];
	_ =	sdelay $0x5  }
0x49: {  	s12 =	sadd.s32 $0x1, s12  }
0x4a: {  	p0 =	sne.s32 s12, s6  }
.Ltmp2:
0x4b: {  	[tilespmem:v10+s8+$0x0] =	vst.idx.add.f32.msk $0xffff, v1;
	(pc) =	sbr.rel @p0 .LBB2_1-.Ltmp2, $4  }
0x4c: {  	[hbm4b:s5+s9] =	stream.strided.scatter [tilespmem:s8], [sflag:$0x2], $0x2800, s10, s9, $0x38;
	[tilespmem:$0x7700] =	vst v63  }
0x4d: {  	_ =	swait.ge [sflag:s11], $0x2800  }
0x4e: {  	[sflag:s11] =	ssyncset.done $0x0  }
0x4f: {  	[sflag:s11] =	ssyncadd.s32 $0xFFFFD800  }
0x50: {  	_ =	sfence.sel $0x180000  }
0x51: {  	[bflag:$0x0] =	sbarrier.arrive $0xFFFF  }
0x52: {  	p0 =	sne.s32 s0, $0x0;
	_ =	strace $0x90000047  }
0x53: {  	s0 =	sadd.s32 @!p0 $0x100000, s1;
	[bflag:$0x2] =	sbarrier.arrive $0xFFFF  }
0x54: {  	[sflag:s0] =	ssyncadd.tile.s32 @!p0 $0x1;
	_ =	shalt  }
.Lfunc_end2:
_tile_overlayer_lowered:
.L_overlay_start_2:
0x55: {  	(tag) =	ssettag $0x2  }
0x56: {  	s0 =	rddreg [dreg:$0x0];
	s2 =	stileid.u32  }
0x57: {  	s1 =	rddreg [dreg:$0x1];
	p0 =	sne.s32 s2, $0x0  }
0x58: {  	s3 =	rddreg [dreg:$0x2];
	[bflag:$0x3] =	sbarrier.arrive $0xFFFF;
	s2 =	simm.s32 @!p0 $0x1C02  }
0x59: {  	[timem:s3], [sflag:s2] =	dma.local @!p0 [hbm:s0], s1  }
0x5a: {  	s0 =	simm.s32 @!p0 $0x2  }
0x5b: {  	_ =	swait.ge @!p0 [sflag:s0], s1  }
0x5c: {  	s1 =	ssub.s32 @!p0 $0x0, s1;
	[sflag:s0] =	ssyncset.done @!p0 $0x0  }
0x5d: {  	[sflag:s0] =	ssyncadd.s32 @!p0 s1  }
0x5e: {  	[bflag:$0x3] =	sbarrier.arrive $0xFFFF  }
0x5f: {  	_ =	shalt  }

</sc_bundles>
